<compile_context>
chip_gen: v7x
topology: tpu7x:2x2x1
jax: 0.10.2.dev20260603
libtpu: 0.0.44.dev20260713+nightly
codegen_flags: <defaults>
</compile_context>

<pallas_src>
import functools

import jax
import jax.numpy as jnp
from jax import lax
from jax.experimental import pallas as pl
from jax.experimental.pallas import tpu as pltpu
from jax.experimental.pallas import tpu_sc as plsc

N_TOKENS = 8192
D_MODEL = 768
PATHS = 8
NC = 2
NS = 16
NW = NC * NS
ROWS_PER_W = N_TOKENS // NW
CBLK = 64
NCOPY = ROWS_PER_W // CBLK
ZBLOCK = 512


def _sc_copy_body(in_hbm, out0, b0, b1, gsem, s0, s1):
    cbufs = (b0, b1)
    ssems = (s0, s1)
    wid = lax.axis_index("s") * NC + lax.axis_index("c")
    base = wid * ROWS_PER_W
    scatters = [None, None]
    for j in range(NCOPY):
        lo = base + j * CBLK
        b = j % 2
        if scatters[b] is not None:
            scatters[b].wait()
        pltpu.async_copy(in_hbm.at[pl.ds(lo, CBLK)], cbufs[b], gsem).wait()
        scatters[b] = pltpu.async_copy(
            cbufs[b], out0.at[pl.ds(lo, CBLK)], ssems[b]
        )
    for c in scatters:
        if c is not None:
            c.wait()


_sc_copy = functools.partial(
    pl.kernel,
    mesh=plsc.VectorSubcoreMesh(core_axis_name="c", subcore_axis_name="s"),
    out_type=jax.ShapeDtypeStruct((N_TOKENS, D_MODEL), jnp.float32),
    scratch_types=[
        pltpu.VMEM((CBLK, D_MODEL), jnp.float32),
        pltpu.VMEM((CBLK, D_MODEL), jnp.float32),
        pltpu.SemaphoreType.DMA,
        pltpu.SemaphoreType.DMA,
        pltpu.SemaphoreType.DMA,
    ],
)(_sc_copy_body)


def _tc_zero_body(*out_refs):
    for r in out_refs:
        r[...] = jnp.zeros_like(r)


def _tc_zeros(n, d, dtype, count):
    spec = pl.BlockSpec((ZBLOCK, d), lambda i: (i, 0))
    return pl.pallas_call(
        _tc_zero_body,
        grid=(n // ZBLOCK,),
        in_specs=[],
        out_specs=tuple(spec for _ in range(count)),
        out_shape=tuple(
            jax.ShapeDtypeStruct((n, d), dtype) for _ in range(count)
        ),
    )()


def kernel(inputs):
    n, d = inputs.shape
    out0 = _sc_copy(inputs)
    zeros = _tc_zeros(n, d, inputs.dtype, PATHS - 1)
    return (out0,) + tuple(zeros)

# --- scband reference (transcript-rebuilt; emitter-appended) ---
"""Pipeline reference for scband-miss-hit-scatter-31980326486572 (READ-ONLY COPY).

The authoritative reference and input builder live on the scoring server;
editing this copy changes nothing except your own understanding.
"""

import jax, jax.numpy as jnp
import numpy as np

PATH_NUM = 8
IS_HIT = True


def setup_inputs(seed: int = 0) -> dict:
    key = jax.random.key(seed)
    inputs = jax.random.normal(key, (8192, 768), dtype=jnp.float32)
    return {"inputs": inputs}


def _miss_hit_gate(n, dtype):
    # mask_indice: all-zeros if hit, else filled with path_num-1
    idx_val = 0 if IS_HIT else PATH_NUM - 1
    mask_indice = jnp.full((n, 1), idx_val, dtype=jnp.int64)
    # scatter ones into a zero mask along dim 1 (torch scatter_ equivalent)
    mask = jnp.zeros((n, PATH_NUM), dtype=dtype)
    rows = jnp.arange(n, dtype=jnp.int64)[:, None]
    mask = mask.at[rows, mask_indice].set(1.0)
    return mask


def reference(inputs):
    n = inputs.shape[0]
    score = _miss_hit_gate(n, inputs.dtype)
    # ScatterRouter protocol_type='topk' (k=1): pick the top-1 path per token
    gates, route_idx = jax.lax.top_k(score, 1)  # [n,1], [n,1]
    dst = route_idx[:, 0]
    g = gates[:, 0]
    # fabric_type='dispatch': gather the tokens routed to each path, independently.
    # Static-shape compaction: stable argsort brings selected tokens (order preserved)
    # to the front; non-selected slots are zeroed (padding).
    outs = []
    for p in range(PATH_NUM):
        sel = (dst == p)
        order = jnp.argsort(jnp.logical_not(sel))  # stable: selected tokens first, in order
        valid = sel[order].astype(inputs.dtype)
        gathered = inputs[order] * (g[order] * valid)[:, None]
        outs.append(gathered)
    return tuple(outs)

if __name__ == "__main__":
    import jax
    _d = setup_inputs()
    print(jax.jit(kernel)(*tuple(_d.values())))

</pallas_src>

<mosaic_0001>
#map = affine_map<(d0, d1) -> (0, 0)>
module attributes {stable_mosaic.version = 14 : i64} {
  func.func @_sc_copy_body(%arg0: i32, %arg1: i32, %arg2: memref<8192x768xf32, #tpu.memory_space<hbm>>, %arg3: memref<8192x768xf32, #tpu.memory_space<hbm>>, %arg4: memref<64x768xf32, #tpu.memory_space<vmem>>, %arg5: memref<64x768xf32, #tpu.memory_space<vmem>>, %arg6: memref<!tpu.dma_semaphore, #tpu.memory_space<semaphore_mem>>, %arg7: memref<!tpu.dma_semaphore, #tpu.memory_space<semaphore_mem>>, %arg8: memref<!tpu.dma_semaphore, #tpu.memory_space<semaphore_mem>>) attributes {dimension_semantics = [#tpu.dimension_semantics<core_parallel>, #tpu.dimension_semantics<subcore_parallel>], iteration_bounds = array<i64: 2, 16>, scalar_prefetch = 0 : i64, scratch_operands = 5 : i64, tpu.core_type = #tpu.core_type<sc_vector_subcore>, window_params = [{transform_indices = #map}, {transform_indices = #map}]} {
    %mul3A = arith.constant 2 : i32
    %mul3A_0 = arith.muli %arg1, %mul3A : i32
    %add3A = arith.addi %mul3A_0, %arg0 : i32
    %mul3A_1 = arith.constant 256 : i32
    %mul3A_2 = arith.muli %add3A, %mul3A_1 : i32
    %add3A_3 = arith.constant 0 : i32
    %add3A_4 = arith.addi %mul3A_2, %add3A_3 : i32
    %dma_start3A = arith.constant 0 : i32
    %dma_start3A_5 = tpu.memref_slice %arg2[%add3A_4, %dma_start3A] : memref<8192x768xf32, #tpu.memory_space<hbm>> -> memref<64x768xf32, #tpu.memory_space<hbm>>
    %dma_start3A_6 = arith.constant 0 : i32
    %dma_start3A_7 = tpu.memref_slice %arg2[%add3A_4, %dma_start3A_6] : memref<8192x768xf32, #tpu.memory_space<hbm>> -> memref<64x768xf32, #tpu.memory_space<hbm>>
    tpu.enqueue_dma source(%dma_start3A_7 : memref<64x768xf32, #tpu.memory_space<hbm>>) target(%arg4 : memref<64x768xf32, #tpu.memory_space<vmem>>) target_semaphore(%arg6 : memref<!tpu.dma_semaphore, #tpu.memory_space<semaphore_mem>>)
    %dma_wait3A = arith.constant 0 : i32
    %dma_wait3A_8 = tpu.memref_slice %arg2[%add3A_4, %dma_wait3A] : memref<8192x768xf32, #tpu.memory_space<hbm>> -> memref<64x768xf32, #tpu.memory_space<hbm>>
    %dma_wait3A_9 = arith.constant 0 : i32
    %dma_wait3A_10 = tpu.memref_slice %arg2[%add3A_4, %dma_wait3A_9] : memref<8192x768xf32, #tpu.memory_space<hbm>> -> memref<64x768xf32, #tpu.memory_space<hbm>>
    tpu.wait_dma2 semaphore(%arg6 : memref<!tpu.dma_semaphore, #tpu.memory_space<semaphore_mem>>) src(%dma_wait3A_10 : memref<64x768xf32, #tpu.memory_space<hbm>>) dst(%arg4 : memref<64x768xf32, #tpu.memory_space<vmem>>)
    %dma_start3A_11 = arith.constant 0 : i32
    %dma_start3A_12 = tpu.memref_slice %arg3[%add3A_4, %dma_start3A_11] : memref<8192x768xf32, #tpu.memory_space<hbm>> -> memref<64x768xf32, #tpu.memory_space<hbm>>
    %dma_start3A_13 = arith.constant 0 : i32
    %dma_start3A_14 = tpu.memref_slice %arg3[%add3A_4, %dma_start3A_13] : memref<8192x768xf32, #tpu.memory_space<hbm>> -> memref<64x768xf32, #tpu.memory_space<hbm>>
    tpu.enqueue_dma source(%arg4 : memref<64x768xf32, #tpu.memory_space<vmem>>) target(%dma_start3A_14 : memref<64x768xf32, #tpu.memory_space<hbm>>) target_semaphore(%arg7 : memref<!tpu.dma_semaphore, #tpu.memory_space<semaphore_mem>>)
    %add3A_15 = arith.constant 64 : i32
    %add3A_16 = arith.addi %mul3A_2, %add3A_15 : i32
    %dma_start3A_17 = arith.constant 0 : i32
    %dma_start3A_18 = tpu.memref_slice %arg2[%add3A_16, %dma_start3A_17] : memref<8192x768xf32, #tpu.memory_space<hbm>> -> memref<64x768xf32, #tpu.memory_space<hbm>>
    %dma_start3A_19 = arith.constant 0 : i32
    %dma_start3A_20 = tpu.memref_slice %arg2[%add3A_16, %dma_start3A_19] : memref<8192x768xf32, #tpu.memory_space<hbm>> -> memref<64x768xf32, #tpu.memory_space<hbm>>
    tpu.enqueue_dma source(%dma_start3A_20 : memref<64x768xf32, #tpu.memory_space<hbm>>) target(%arg5 : memref<64x768xf32, #tpu.memory_space<vmem>>) target_semaphore(%arg6 : memref<!tpu.dma_semaphore, #tpu.memory_space<semaphore_mem>>)
    %dma_wait3A_21 = arith.constant 0 : i32
    %dma_wait3A_22 = tpu.memref_slice %arg2[%add3A_16, %dma_wait3A_21] : memref<8192x768xf32, #tpu.memory_space<hbm>> -> memref<64x768xf32, #tpu.memory_space<hbm>>
    %dma_wait3A_23 = arith.constant 0 : i32
    %dma_wait3A_24 = tpu.memref_slice %arg2[%add3A_16, %dma_wait3A_23] : memref<8192x768xf32, #tpu.memory_space<hbm>> -> memref<64x768xf32, #tpu.memory_space<hbm>>
    tpu.wait_dma2 semaphore(%arg6 : memref<!tpu.dma_semaphore, #tpu.memory_space<semaphore_mem>>) src(%dma_wait3A_24 : memref<64x768xf32, #tpu.memory_space<hbm>>) dst(%arg5 : memref<64x768xf32, #tpu.memory_space<vmem>>)
    %dma_start3A_25 = arith.constant 0 : i32
    %dma_start3A_26 = tpu.memref_slice %arg3[%add3A_16, %dma_start3A_25] : memref<8192x768xf32, #tpu.memory_space<hbm>> -> memref<64x768xf32, #tpu.memory_space<hbm>>
    %dma_start3A_27 = arith.constant 0 : i32
    %dma_start3A_28 = tpu.memref_slice %arg3[%add3A_16, %dma_start3A_27] : memref<8192x768xf32, #tpu.memory_space<hbm>> -> memref<64x768xf32, #tpu.memory_space<hbm>>
    tpu.enqueue_dma source(%arg5 : memref<64x768xf32, #tpu.memory_space<vmem>>) target(%dma_start3A_28 : memref<64x768xf32, #tpu.memory_space<hbm>>) target_semaphore(%arg8 : memref<!tpu.dma_semaphore, #tpu.memory_space<semaphore_mem>>)
    %add3A_29 = arith.constant 128 : i32
    %add3A_30 = arith.addi %mul3A_2, %add3A_29 : i32
    %dma_wait3A_31 = arith.constant 0 : i32
    %dma_wait3A_32 = tpu.memref_slice %arg3[%add3A_4, %dma_wait3A_31] : memref<8192x768xf32, #tpu.memory_space<hbm>> -> memref<64x768xf32, #tpu.memory_space<hbm>>
    %dma_wait3A_33 = arith.constant 0 : i32
    %dma_wait3A_34 = tpu.memref_slice %arg3[%add3A_4, %dma_wait3A_33] : memref<8192x768xf32, #tpu.memory_space<hbm>> -> memref<64x768xf32, #tpu.memory_space<hbm>>
    tpu.wait_dma2 semaphore(%arg7 : memref<!tpu.dma_semaphore, #tpu.memory_space<semaphore_mem>>) src(%arg4 : memref<64x768xf32, #tpu.memory_space<vmem>>) dst(%dma_wait3A_34 : memref<64x768xf32, #tpu.memory_space<hbm>>)
    %dma_start3A_35 = arith.constant 0 : i32
    %dma_start3A_36 = tpu.memref_slice %arg2[%add3A_30, %dma_start3A_35] : memref<8192x768xf32, #tpu.memory_space<hbm>> -> memref<64x768xf32, #tpu.memory_space<hbm>>
    %dma_start3A_37 = arith.constant 0 : i32
    %dma_start3A_38 = tpu.memref_slice %arg2[%add3A_30, %dma_start3A_37] : memref<8192x768xf32, #tpu.memory_space<hbm>> -> memref<64x768xf32, #tpu.memory_space<hbm>>
    tpu.enqueue_dma source(%dma_start3A_38 : memref<64x768xf32, #tpu.memory_space<hbm>>) target(%arg4 : memref<64x768xf32, #tpu.memory_space<vmem>>) target_semaphore(%arg6 : memref<!tpu.dma_semaphore, #tpu.memory_space<semaphore_mem>>)
    %dma_wait3A_39 = arith.constant 0 : i32
    %dma_wait3A_40 = tpu.memref_slice %arg2[%add3A_30, %dma_wait3A_39] : memref<8192x768xf32, #tpu.memory_space<hbm>> -> memref<64x768xf32, #tpu.memory_space<hbm>>
    %dma_wait3A_41 = arith.constant 0 : i32
    %dma_wait3A_42 = tpu.memref_slice %arg2[%add3A_30, %dma_wait3A_41] : memref<8192x768xf32, #tpu.memory_space<hbm>> -> memref<64x768xf32, #tpu.memory_space<hbm>>
    tpu.wait_dma2 semaphore(%arg6 : memref<!tpu.dma_semaphore, #tpu.memory_space<semaphore_mem>>) src(%dma_wait3A_42 : memref<64x768xf32, #tpu.memory_space<hbm>>) dst(%arg4 : memref<64x768xf32, #tpu.memory_space<vmem>>)
    %dma_start3A_43 = arith.constant 0 : i32
    %dma_start3A_44 = tpu.memref_slice %arg3[%add3A_30, %dma_start3A_43] : memref<8192x768xf32, #tpu.memory_space<hbm>> -> memref<64x768xf32, #tpu.memory_space<hbm>>
    %dma_start3A_45 = arith.constant 0 : i32
    %dma_start3A_46 = tpu.memref_slice %arg3[%add3A_30, %dma_start3A_45] : memref<8192x768xf32, #tpu.memory_space<hbm>> -> memref<64x768xf32, #tpu.memory_space<hbm>>
    tpu.enqueue_dma source(%arg4 : memref<64x768xf32, #tpu.memory_space<vmem>>) target(%dma_start3A_46 : memref<64x768xf32, #tpu.memory_space<hbm>>) target_semaphore(%arg7 : memref<!tpu.dma_semaphore, #tpu.memory_space<semaphore_mem>>)
    %add3A_47 = arith.constant 192 : i32
    %add3A_48 = arith.addi %mul3A_2, %add3A_47 : i32
    %dma_wait3A_49 = arith.constant 0 : i32
    %dma_wait3A_50 = tpu.memref_slice %arg3[%add3A_16, %dma_wait3A_49] : memref<8192x768xf32, #tpu.memory_space<hbm>> -> memref<64x768xf32, #tpu.memory_space<hbm>>
    %dma_wait3A_51 = arith.constant 0 : i32
    %dma_wait3A_52 = tpu.memref_slice %arg3[%add3A_16, %dma_wait3A_51] : memref<8192x768xf32, #tpu.memory_space<hbm>> -> memref<64x768xf32, #tpu.memory_space<hbm>>
    tpu.wait_dma2 semaphore(%arg8 : memref<!tpu.dma_semaphore, #tpu.memory_space<semaphore_mem>>) src(%arg5 : memref<64x768xf32, #tpu.memory_space<vmem>>) dst(%dma_wait3A_52 : memref<64x768xf32, #tpu.memory_space<hbm>>)
    %dma_start3A_53 = arith.constant 0 : i32
    %dma_start3A_54 = tpu.memref_slice %arg2[%add3A_48, %dma_start3A_53] : memref<8192x768xf32, #tpu.memory_space<hbm>> -> memref<64x768xf32, #tpu.memory_space<hbm>>
    %dma_start3A_55 = arith.constant 0 : i32
    %dma_start3A_56 = tpu.memref_slice %arg2[%add3A_48, %dma_start3A_55] : memref<8192x768xf32, #tpu.memory_space<hbm>> -> memref<64x768xf32, #tpu.memory_space<hbm>>
    tpu.enqueue_dma source(%dma_start3A_56 : memref<64x768xf32, #tpu.memory_space<hbm>>) target(%arg5 : memref<64x768xf32, #tpu.memory_space<vmem>>) target_semaphore(%arg6 : memref<!tpu.dma_semaphore, #tpu.memory_space<semaphore_mem>>)
    %dma_wait3A_57 = arith.constant 0 : i32
    %dma_wait3A_58 = tpu.memref_slice %arg2[%add3A_48, %dma_wait3A_57] : memref<8192x768xf32, #tpu.memory_space<hbm>> -> memref<64x768xf32, #tpu.memory_space<hbm>>
    %dma_wait3A_59 = arith.constant 0 : i32
    %dma_wait3A_60 = tpu.memref_slice %arg2[%add3A_48, %dma_wait3A_59] : memref<8192x768xf32, #tpu.memory_space<hbm>> -> memref<64x768xf32, #tpu.memory_space<hbm>>
    tpu.wait_dma2 semaphore(%arg6 : memref<!tpu.dma_semaphore, #tpu.memory_space<semaphore_mem>>) src(%dma_wait3A_60 : memref<64x768xf32, #tpu.memory_space<hbm>>) dst(%arg5 : memref<64x768xf32, #tpu.memory_space<vmem>>)
    %dma_start3A_61 = arith.constant 0 : i32
    %dma_start3A_62 = tpu.memref_slice %arg3[%add3A_48, %dma_start3A_61] : memref<8192x768xf32, #tpu.memory_space<hbm>> -> memref<64x768xf32, #tpu.memory_space<hbm>>
    %dma_start3A_63 = arith.constant 0 : i32
    %dma_start3A_64 = tpu.memref_slice %arg3[%add3A_48, %dma_start3A_63] : memref<8192x768xf32, #tpu.memory_space<hbm>> -> memref<64x768xf32, #tpu.memory_space<hbm>>
    tpu.enqueue_dma source(%arg5 : memref<64x768xf32, #tpu.memory_space<vmem>>) target(%dma_start3A_64 : memref<64x768xf32, #tpu.memory_space<hbm>>) target_semaphore(%arg8 : memref<!tpu.dma_semaphore, #tpu.memory_space<semaphore_mem>>)
    %dma_wait3A_65 = arith.constant 0 : i32
    %dma_wait3A_66 = tpu.memref_slice %arg3[%add3A_30, %dma_wait3A_65] : memref<8192x768xf32, #tpu.memory_space<hbm>> -> memref<64x768xf32, #tpu.memory_space<hbm>>
    %dma_wait3A_67 = arith.constant 0 : i32
    %dma_wait3A_68 = tpu.memref_slice %arg3[%add3A_30, %dma_wait3A_67] : memref<8192x768xf32, #tpu.memory_space<hbm>> -> memref<64x768xf32, #tpu.memory_space<hbm>>
    tpu.wait_dma2 semaphore(%arg7 : memref<!tpu.dma_semaphore, #tpu.memory_space<semaphore_mem>>) src(%arg4 : memref<64x768xf32, #tpu.memory_space<vmem>>) dst(%dma_wait3A_68 : memref<64x768xf32, #tpu.memory_space<hbm>>)
    %dma_wait3A_69 = arith.constant 0 : i32
    %dma_wait3A_70 = tpu.memref_slice %arg3[%add3A_48, %dma_wait3A_69] : memref<8192x768xf32, #tpu.memory_space<hbm>> -> memref<64x768xf32, #tpu.memory_space<hbm>>
    %dma_wait3A_71 = arith.constant 0 : i32
    %dma_wait3A_72 = tpu.memref_slice %arg3[%add3A_48, %dma_wait3A_71] : memref<8192x768xf32, #tpu.memory_space<hbm>> -> memref<64x768xf32, #tpu.memory_space<hbm>>
    tpu.wait_dma2 semaphore(%arg8 : memref<!tpu.dma_semaphore, #tpu.memory_space<semaphore_mem>>) src(%arg5 : memref<64x768xf32, #tpu.memory_space<vmem>>) dst(%dma_wait3A_72 : memref<64x768xf32, #tpu.memory_space<hbm>>)
    return
  }
}

module attributes {stable_mosaic.version = 14 : i64} {
  func.func @_tc_zero_body(%arg0: i32, %arg1: memref<512x768xf32, #tpu.memory_space<vmem>>, %arg2: memref<512x768xf32, #tpu.memory_space<vmem>>, %arg3: memref<512x768xf32, #tpu.memory_space<vmem>>, %arg4: memref<512x768xf32, #tpu.memory_space<vmem>>, %arg5: memref<512x768xf32, #tpu.memory_space<vmem>>, %arg6: memref<512x768xf32, #tpu.memory_space<vmem>>, %arg7: memref<512x768xf32, #tpu.memory_space<vmem>>) attributes {dimension_semantics = [#tpu.dimension_semantics<arbitrary>], iteration_bounds = array<i64: 16>, scalar_prefetch = 0 : i64, scratch_operands = 0 : i64, tpu.core_type = #tpu.core_type<tc>, window_params = [{transform_indices = @transform_0, window_bounds = array<i64: 512, 768>}, {transform_indices = @transform_1, window_bounds = array<i64: 512, 768>}, {transform_indices = @transform_2, window_bounds = array<i64: 512, 768>}, {transform_indices = @transform_3, window_bounds = array<i64: 512, 768>}, {transform_indices = @transform_4, window_bounds = array<i64: 512, 768>}, {transform_indices = @transform_5, window_bounds = array<i64: 512, 768>}, {transform_indices = @transform_6, window_bounds = array<i64: 512, 768>}]} {
    %broadcast_in_dim3A = arith.constant 0.000000e+00 : f32
    %broadcast_in_dim3A_0 = vector.broadcast %broadcast_in_dim3A : f32 to vector<512x768xf32>
    %swap3A = arith.constant 0 : index
    %swap3A_1 = arith.constant 0 : index
    %swap3A_2 = vector.load %arg1[%swap3A, %swap3A_1] : memref<512x768xf32, #tpu.memory_space<vmem>>, vector<512x768xf32>
    tpu.vector_store %arg1[%swap3A, %swap3A_1], %broadcast_in_dim3A_0 {strides = array<i32>} : memref<512x768xf32, #tpu.memory_space<vmem>>, vector<512x768xf32>,
    %broadcast_in_dim3A_3 = arith.constant 0.000000e+00 : f32
    %broadcast_in_dim3A_4 = vector.broadcast %broadcast_in_dim3A_3 : f32 to vector<512x768xf32>
    %swap3A_5 = arith.constant 0 : index
    %swap3A_6 = arith.constant 0 : index
    %swap3A_7 = vector.load %arg2[%swap3A_5, %swap3A_6] : memref<512x768xf32, #tpu.memory_space<vmem>>, vector<512x768xf32>
    tpu.vector_store %arg2[%swap3A_5, %swap3A_6], %broadcast_in_dim3A_4 {strides = array<i32>} : memref<512x768xf32, #tpu.memory_space<vmem>>, vector<512x768xf32>,
    %broadcast_in_dim3A_8 = arith.constant 0.000000e+00 : f32
    %broadcast_in_dim3A_9 = vector.broadcast %broadcast_in_dim3A_8 : f32 to vector<512x768xf32>
    %swap3A_10 = arith.constant 0 : index
    %swap3A_11 = arith.constant 0 : index
    %swap3A_12 = vector.load %arg3[%swap3A_10, %swap3A_11] : memref<512x768xf32, #tpu.memory_space<vmem>>, vector<512x768xf32>
    tpu.vector_store %arg3[%swap3A_10, %swap3A_11], %broadcast_in_dim3A_9 {strides = array<i32>} : memref<512x768xf32, #tpu.memory_space<vmem>>, vector<512x768xf32>,
    %broadcast_in_dim3A_13 = arith.constant 0.000000e+00 : f32
    %broadcast_in_dim3A_14 = vector.broadcast %broadcast_in_dim3A_13 : f32 to vector<512x768xf32>
    %swap3A_15 = arith.constant 0 : index
    %swap3A_16 = arith.constant 0 : index
    %swap3A_17 = vector.load %arg4[%swap3A_15, %swap3A_16] : memref<512x768xf32, #tpu.memory_space<vmem>>, vector<512x768xf32>
    tpu.vector_store %arg4[%swap3A_15, %swap3A_16], %broadcast_in_dim3A_14 {strides = array<i32>} : memref<512x768xf32, #tpu.memory_space<vmem>>, vector<512x768xf32>,
    %broadcast_in_dim3A_18 = arith.constant 0.000000e+00 : f32
    %broadcast_in_dim3A_19 = vector.broadcast %broadcast_in_dim3A_18 : f32 to vector<512x768xf32>
    %swap3A_20 = arith.constant 0 : index
    %swap3A_21 = arith.constant 0 : index
    %swap3A_22 = vector.load %arg5[%swap3A_20, %swap3A_21] : memref<512x768xf32, #tpu.memory_space<vmem>>, vector<512x768xf32>
    tpu.vector_store %arg5[%swap3A_20, %swap3A_21], %broadcast_in_dim3A_19 {strides = array<i32>} : memref<512x768xf32, #tpu.memory_space<vmem>>, vector<512x768xf32>,
    %broadcast_in_dim3A_23 = arith.constant 0.000000e+00 : f32
    %broadcast_in_dim3A_24 = vector.broadcast %broadcast_in_dim3A_23 : f32 to vector<512x768xf32>
    %swap3A_25 = arith.constant 0 : index
    %swap3A_26 = arith.constant 0 : index
    %swap3A_27 = vector.load %arg6[%swap3A_25, %swap3A_26] : memref<512x768xf32, #tpu.memory_space<vmem>>, vector<512x768xf32>
    tpu.vector_store %arg6[%swap3A_25, %swap3A_26], %broadcast_in_dim3A_24 {strides = array<i32>} : memref<512x768xf32, #tpu.memory_space<vmem>>, vector<512x768xf32>,
    %broadcast_in_dim3A_28 = arith.constant 0.000000e+00 : f32
    %broadcast_in_dim3A_29 = vector.broadcast %broadcast_in_dim3A_28 : f32 to vector<512x768xf32>
    %swap3A_30 = arith.constant 0 : index
    %swap3A_31 = arith.constant 0 : index
    %swap3A_32 = vector.load %arg7[%swap3A_30, %swap3A_31] : memref<512x768xf32, #tpu.memory_space<vmem>>, vector<512x768xf32>
    tpu.vector_store %arg7[%swap3A_30, %swap3A_31], %broadcast_in_dim3A_29 {strides = array<i32>} : memref<512x768xf32, #tpu.memory_space<vmem>>, vector<512x768xf32>,
    return
  }
  func.func @transform_0(%arg0: i32) -> (i32, i32) {
    %c0_i32 = arith.constant 0 : i32
    %c0_i32_0 = arith.constant 0 : i32
    return %arg0, %c0_i32 : i32, i32
  }
  func.func @transform_1(%arg0: i32) -> (i32, i32) {
    %c0_i32 = arith.constant 0 : i32
    %c0_i32_0 = arith.constant 0 : i32
    return %arg0, %c0_i32 : i32, i32
  }
  func.func @transform_2(%arg0: i32) -> (i32, i32) {
    %c0_i32 = arith.constant 0 : i32
    %c0_i32_0 = arith.constant 0 : i32
    return %arg0, %c0_i32 : i32, i32
  }
  func.func @transform_3(%arg0: i32) -> (i32, i32) {
    %c0_i32 = arith.constant 0 : i32
    %c0_i32_0 = arith.constant 0 : i32
    return %arg0, %c0_i32 : i32, i32
  }
  func.func @transform_4(%arg0: i32) -> (i32, i32) {
    %c0_i32 = arith.constant 0 : i32
    %c0_i32_0 = arith.constant 0 : i32
    return %arg0, %c0_i32 : i32, i32
  }
  func.func @transform_5(%arg0: i32) -> (i32, i32) {
    %c0_i32 = arith.constant 0 : i32
    %c0_i32_0 = arith.constant 0 : i32
    return %arg0, %c0_i32 : i32, i32
  }
  func.func @transform_6(%arg0: i32) -> (i32, i32) {
    %c0_i32 = arith.constant 0 : i32
    %c0_i32_0 = arith.constant 0 : i32
    return %arg0, %c0_i32 : i32, i32
  }
}

</mosaic_0001>

<sc_bundles>
// kernel: kernel.4.cloned.1.call-start
scs
__scs_entry_jumppad:
0x0: {  	(pc) =	sbr.rel $0x88, $3  }
0x1: {  	(tag) =	ssettag $0x0;
	lr =	simm.s32 $0x1  }
0x2: {  	[smem:$0x3FA0] =	sst lr;
	_ =	strace $0xD0000000  }
0x3: {  	_ = 	snop  }
0x4: {  	_ = 	snop  }
0x5: {  	_ = 	snop  }
0x6: {  	_ = 	snop  }
0x7: {  	_ = 	snop  }
__scs_overlays_trampoline_lowered:
0x8: {  	[smem:$0x3FAF] =	sst s0  }
0x9: {  	[smem:$0x3FB0] =	sst s1  }
0xa: {  	[smem:$0x3FB1] =	sst s2  }
0xb: {  	[smem:$0x3FB2] =	sst s3  }
0xc: {  	[smem:$0x3FB3] =	sst s4  }
0xd: {  	[smem:$0x3FB4] =	sst s5  }
0xe: {  	[smem:$0x3FB5] =	sst s6  }
0xf: {  	[smem:$0x3FB6] =	sst s7  }
0x10: {  	[smem:$0x3FB7] =	sst s8  }
0x11: {  	[smem:$0x3FB8] =	sst s9;
	s0 =	simm.s32 @!p0 $0x0  }
0x12: {  	s1 =	sld [smem:$0x3F9E];
	s0 =	simm.s32 @p0 $0x1  }
0x13: {  	[smem:$0x3FB9] =	sst s0;
	s0 =	simm.s32 @!p1 $0x0  }
0x14: {  	s2 =	sld [smem:$0x3F9D];
	s0 =	simm.s32 @p1 $0x1  }
0x15: {  	[smem:$0x3FBA] =	sst s0;
	s0 =	simm.s32 @!p2 $0x0  }
0x16: {  	s3 =	sld [smem:$0x3FDB];
	s0 =	simm.s32 @p2 $0x1  }
0x17: {  	s4 =	simm.s32 $0x1BF5;
	[smem:$0x3FBC] =	sst s0  }
0x18: {  	s0 =	sld [smem:$0x3F9F];
	_ =	swait.ge [sflag:s4], $0x0  }
0x19: {  	s7 =	sld [smem:$0x3FA0]  }
0x1a: {  	s8 =	sadd.s32 $0xFFFFE003, lr  }
0x1b: {  	s9 =	sadd.s32 $0xFFFFFEF7, lr;
	s5 =	simm.s32 $0xFFFFFFFF;
	p2 =	slt.u32 s8, $0xFFFFF086  }
0x1c: {  	p1 =	slt.u32 s9, $0xF7A;
	s5 =	simm.s32 @!p2 $0x0  }
0x1d: {  	s5 =	simm.s32 @p1 $0x1;
	p0 =	seq.s32 s7, s2  }
0x1e: {  	s7 =	smul.u32 @!p0 $0xF7A, s2;
	p2 =	seq.s32 @!p0 s5, $0x0  }
0x1f: {  	s9 =	smul.u32 $0xF7A, s1;
	s8 =	simm.s32 @!p0 $0x1BF5;
	p2 =	por !p2, p0  }
0x20: {  	[sflag:s8] =	ssyncset.s32 @!p0 $0xFFFFF086;
	s6 =	sadd.s32 @!p0 s3, s7;
	s7 =	simm.s32 @!p0 $0x108  }
0x21: {  	s3 =	sadd.s32 s3, s9;
	s6 =	sadd.s32 @!p0 $0x88, s6;
	s7 =	simm.s32 @p2 $0x1082  }
0x22: {  	[simem:s7], [sflag:s8] =	dma.local @!p0 [hbm:s6], $0xF7A  }
0x23: {  	s9 =	sor.u32 $0xD0000000, s2;
	s6 =	simm.s32 $0x108;
	_ =	swait.ge @!p0 [sflag:s8], $0x0  }
0x24: {  	s3 =	sadd.s32 $0x88, s3;
	s6 =	simm.s32 @!p1 $0x1082;
	[sflag:s4] =	ssyncset.s32 $0xFFFFF086  }
0x25: {  	[simem:s6], [sflag:s4] =	dma.local [hbm:s3], $0xF7A  }
0x26: {  	[smem:$0x3FA0] =	sst s1;
	(tag) =	ssettag s2;
	_ =	strace s9  }
0x27: {  	s1 =	sld [smem:$0x3FB0]  }
0x28: {  	s2 =	sld [smem:$0x3FB1]  }
0x29: {  	s4 =	sld [smem:$0x3FB3]  }
0x2a: {  	p0 =	seq.s32 s5, $0x0;
	s5 =	sld [smem:$0x3FB4]  }
0x2b: {  	s6 =	sld [smem:$0x3FB5]  }
0x2c: {  	s7 =	sld [smem:$0x3FB6]  }
0x2d: {  	s3 =	simm.s32 $0x108;
	s8 =	sld [smem:$0x3FB7]  }
0x2e: {  	s3 =	simm.s32 @!p0 $0x1082;
	s9 =	sld [smem:$0x3FB8]  }
0x2f: {  	lr =	sadd.s32 s0, s3;
	s0 =	sld [smem:$0x3FAF]  }
0x30: {  	s3 =	sld [smem:$0x3FB2]  }
0x31: {  	[smem:$0x3FBB] =	sst s10  }
0x32: {  	s10 =	sld [smem:$0x3FB9];
	_ =	sdelay $0x3  }
0x33: {  	p0 =	seq.s32 s10, $0x1;
	s10 =	sld [smem:$0x3FBB];
	_ =	sdelay $0x3  }
0x34: {  	[smem:$0x3FBB] =	sst s10  }
0x35: {  	s10 =	sld [smem:$0x3FBA];
	_ =	sdelay $0x3  }
0x36: {  	p1 =	seq.s32 s10, $0x1;
	s10 =	sld [smem:$0x3FBB];
	_ =	sdelay $0x3  }
0x37: {  	[smem:$0x3FBB] =	sst s10  }
0x38: {  	s10 =	sld [smem:$0x3FBC]  }
0x39: {  	_ = 	snop;
	(pc) =	sbr.ind lr, $3  }
0x3a: {  	_ = 	snop  }
0x3b: {  	_ = 	snop  }
0x3c: {  	p2 =	seq.s32 s10, $0x1;
	s10 =	sld [smem:$0x3FBB]  }
0x3d: {  	_ =	shalt  }
0x3e: {  	_ =	shalt  }
0x3f: {  	_ =	shalt  }
0x40: {  	_ =	shalt  }
0x41: {  	_ =	shalt  }
0x42: {  	_ =	shalt  }
0x43: {  	_ =	shalt  }
0x44: {  	_ =	shalt  }
0x45: {  	_ =	shalt  }
0x46: {  	_ =	shalt  }
0x47: {  	_ =	shalt  }
0x48: {  	_ =	shalt  }
0x49: {  	_ =	shalt  }
0x4a: {  	_ =	shalt  }
0x4b: {  	_ =	shalt  }
0x4c: {  	_ =	shalt  }
0x4d: {  	_ =	shalt  }
0x4e: {  	_ =	shalt  }
0x4f: {  	_ =	shalt  }
0x50: {  	_ =	shalt  }
0x51: {  	_ =	shalt  }
0x52: {  	_ =	shalt  }
0x53: {  	_ =	shalt  }
0x54: {  	_ =	shalt  }
0x55: {  	_ =	shalt  }
0x56: {  	_ =	shalt  }
0x57: {  	_ =	shalt  }
0x58: {  	_ =	shalt  }
0x59: {  	_ =	shalt  }
0x5a: {  	_ =	shalt  }
0x5b: {  	_ =	shalt  }
0x5c: {  	_ =	shalt  }
0x5d: {  	_ =	shalt  }
0x5e: {  	_ =	shalt  }
0x5f: {  	_ =	shalt  }
0x60: {  	_ =	shalt  }
0x61: {  	_ =	shalt  }
0x62: {  	_ =	shalt  }
0x63: {  	_ =	shalt  }
0x64: {  	_ =	shalt  }
0x65: {  	_ =	shalt  }
0x66: {  	_ =	shalt  }
0x67: {  	_ =	shalt  }
0x68: {  	_ =	shalt  }
0x69: {  	_ =	shalt  }
0x6a: {  	_ =	shalt  }
0x6b: {  	_ =	shalt  }
0x6c: {  	_ =	shalt  }
0x6d: {  	_ =	shalt  }
0x6e: {  	_ =	shalt  }
0x6f: {  	_ =	shalt  }
0x70: {  	_ =	shalt  }
0x71: {  	_ =	shalt  }
0x72: {  	_ =	shalt  }
0x73: {  	_ =	shalt  }
0x74: {  	_ =	shalt  }
0x75: {  	_ =	shalt  }
0x76: {  	_ =	shalt  }
0x77: {  	_ =	shalt  }
0x78: {  	_ =	shalt  }
0x79: {  	_ =	shalt  }
0x7a: {  	_ =	shalt  }
0x7b: {  	_ =	shalt  }
0x7c: {  	_ =	shalt  }
0x7d: {  	_ =	shalt  }
0x7e: {  	_ =	shalt  }
0x7f: {  	_ =	shalt  }
0x80: {  	_ =	shalt  }
0x81: {  	_ =	shalt  }
0x82: {  	_ =	shalt  }
0x83: {  	_ =	shalt  }
0x84: {  	_ =	shalt  }
0x85: {  	_ =	shalt  }
0x86: {  	_ =	shalt  }
0x87: {  	_ =	shalt  }
.Lfunc_end0:
.L_simem_size_0:
called_computation_lowered:
.L_overlay_start_0:
0x88: {  	s2 =	sld [smem:$0x3FD9]  }
0x89: {  	s3 =	sld [smem:$0x3FFE];
	_ =	sdelay $0x1  }
0x8a: {  	s1 =	srdreg.scid  }
0x8b: {  	s0 =	sand.u32 $0x1, s1  }
0x8c: {  	s15 =	sshll.u32 s0, $0xA;
	s2 =	sadd.s32 s3, s2  }
0x8d: {  	s2 =	sadd.s32 s2, s15  }
0x8e: {  	[smem:$0x3FC7] =	sst s2  }
0x8f: {  	_ = 	snop  }
0x90: {  	s2 =	sld [smem:$0x3FD0];
	_ =	sdelay $0x2  }
0x91: {  	s4 =	simm.s32 $0xA;
	s5 =	simm.s32 $0x10;
	s16 =	sld [smem:$0x3FC9]  }
0x92: {  	[smem:s5], [sflag:s4] =	dma.local [hbm:s2], $0x1  }
0x93: {  	_ =	swait.eq [sflag:s4], $0x1  }
0x94: {  	[sflag:s4] =	ssyncset.done $0x0  }
0x95: {  	[sflag:s4] =	ssyncadd.s32 $0xFFFFFFFF  }
0x96: {  	s17 =	sld [smem:$0x10];
	(tm) =	ssettm $0x1  }
0x97: {  	s18 =	sld [smem:$0x3FFB];
	_ =	sdelay $0x3  }
0x98: {  	_ =	strace s18  }
0x99: {  	s4 =	sld [smem:$0x3FFC];
	_ =	sdelay $0x3  }
0x9a: {  	_ =	strace s4  }
0x9b: {  	s4 =	sld [smem:$0x3FFD];
	_ =	sdelay $0x3  }
0x9c: {  	_ =	strace s4  }
0x9d: {  	_ =	strace $0x8FFFFFFF  }
0x9e: {  	s19 =	sld [smem:$0x3FDB];
	_ =	sdelay $0x1  }
0x9f: {  	s20 =	simm.s32 $_scs_section_size  }
0xa0: {  	s6 =	simm.s32 $_size__tile_overlayer_lowered;
	s7 =	simm.s32 $_tile_overlayer_lowered  }
0xa1: {  	s23 =	simm.s32 $0x1BFF;
	s22 =	sshll.u32 s7, $0x1;
	s4 =	sadd.s32 s20, s19  }
0xa2: {  	s8 =	simm.s32 $0x0;
	s21 =	sshll.u32 s6, $0x1;
	s6 =	sadd.s32 s22, s4  }
0xa3: {  	[timem:s8], [sflag:s23] =	dma.local [hbm:s6], s21  }
0xa4: {  	_ =	swait.ge [sflag:s23], s21  }
0xa5: {  	s5 =	ssub.s32 $0x0, s21;
	[sflag:s23] =	ssyncset.done $0x0  }
0xa6: {  	[sflag:s23] =	ssyncadd.s32 s5;
	_ =	sdelay $0x1  }
0xa7: {  	s24 =	simm.s32 $0x1B8B  }
0xa8: {  	_ =	swait.ge [sflag:s24], $0x1  }
0xa9: {  	[sflag:s24] =	ssyncset.done $0x0  }
0xaa: {  	s25 =	simm.s32 $0x1B8E;
	[sflag:s24] =	ssyncadd.s32 $0xFFFFFFFF  }
0xab: {  	s26 =	simm.s32 $execute0_lowered;
	[smem:$0x3FD2] =	sst s25  }
0xac: {  	s5 =	sshll.u32 s26, $0x1;
	_ =	strace $0x80000046;
	[dreg:$0x1] =	wrdreg $0xFFFFFFFF  }
0xad: {  	s28 =	simm.s32 $_size_execute0_lowered;
	s4 =	sadd.s32 s4, s5;
	[dreg:$0x0] =	wrdreg $0x0  }
0xae: {  	s5 =	sshll.u32 s28, $0x1;
	[dreg:$0x2] =	wrdreg s4  }
0xaf: {  	[dreg:$0x3] =	wrdreg s5  }
0xb0: {  	[dreg:$0x4] =	wrdreg $0xC0  }
0xb1: {  	_ =	task [dreg:s8], $0x5FFFF  }
0xb2: {  	[dreg:$0x1] =	wrdreg $0xFFFFFFFF  }
0xb3: {  	[dreg:$0x0] =	wrdreg $0x60  }
0xb4: {  	[dreg:$0x2] =	wrdreg s16  }
0xb5: {  	[dreg:$0x3] =	wrdreg s17  }
0xb6: {  	[dreg:$0x4] =	wrdreg $0x9  }
0xb7: {  	_ =	task.clear_ibuf [dreg:s8], $0x5FFFF;
	_ =	strace $0x90000046  }
0xb8: {  	s29 =	simm.s32 $0x9;
	_ =	strace $0x80000048  }
0xb9: {  	_ =	swait.ge [sflag:s29], $0x1  }
0xba: {  	[sflag:s29] =	ssyncadd.s32 $0xFFFFFFFF  }
0xbb: {  	_ =	strace $0x90000048  }
0xbc: {  	_ =	sfence  }
0xbd: {  	s30 =	sld [smem:$0x0];
	_ =	sdelay $0x2  }
0xbe: {  	s31 =	sshll.u32 s1, $0xD;
	s1 =	sshrl.u32 s1, $0x2  }
0xbf: {  	s3 =	sand.u32 $0x4000, s31;
	s1 =	sadd.s32 s1, s30  }
0xc0: {  	s0 =	sor.u32 s3, s0;
	s1 =	sshll.u32 s1, $0x11  }
0xc1: {  	s0 =	sor.u32 s1, s0  }
0xc2: {  	s0 =	sadd.s32 $0x8F2B, s0  }
0xc3: {  	[sflag:s0] =	ssyncadd.remote.s32 $0x1  }
0xc4: {  	_ =	sfence.sel $0xFFFF  }
0xc5: {  	[dreg:$0x0] =	wrdreg $0xFFFFFFFF;
	(pc) =	sbr.abs _section_cstart, $3  }
0xc6: {  	[dreg:$0x1] =	wrdreg $0xFFFFFFFF  }
0xc7: {  	_ =	task.clear_ibuf [dreg:s8], $0x2FFFF;
	_ =	strace $0x9FFFFFFF  }
0xc8: {  	(tm) =	ssettm $0x7FFFFFFF  }
0xc9: {  	_ =	shalt  }
tec
execute0_lowered:
.L_overlay_start_1:
0x0: {  	(tag) =	ssettag $0x1  }
0x1: {  	s1 =	srdreg.scid  }
0x2: {  	s0 =	stileid.u32;
	s14 =	sand.u32 $0x1, s1  }
0x3: {  	s30 =	sshll.u32 s0, $0x6;
	s2 =	sshll.u32 s14, $0x5  }
0x4: {  	s13 =	rddreg [dreg:$0x0];
	s9 =	sor.u32 s2, s30  }
0x5: {  	s15 =	rddreg [dreg:$0x1];
	s2 =	simm.s32 $0x0;
	s6 =	smul.u32 $0x300, s9  }
0x6: {  	s4 =	simm.s32 $0x1;
	[smem:$0x7FF] =	sst s2  }
0x7: {  	s1 =	rddreg [dreg:$0x2];
	_ =	strace $0x80000047;
	s3 =	sadd.s32 s13, s6  }
0x8: {  	[tilespmem:s2], [sflag:$0x1] =	stream.linear.gather [hbm4b:s3+s2], $0xC000, $0x38;
	[tilespmem:$0x18000] =	vst v63  }
0x9: {  	_ =	swait.ge [sflag:s4], $0xC000  }
0xa: {  	[sflag:s4] =	ssyncset.done $0x0  }
0xb: {  	s5 =	sadd.s32 s15, s6;
	s8 =	sor.u32 $0x1800, s6;
	[sflag:s4] =	ssyncadd.s32 $0xFFFF4000  }
0xc: {  	[hbm4b:s5+s2] =	stream.linear.scatter [tilespmem:s2], [sflag:$0x2], $0xC000, $0x38;
	[tilespmem:$0x18000] =	vst v63  }
0xd: {  	s7 =	simm.s32 $0xC000;
	s6 =	sadd.s32 s13, s8  }
0xe: {  	[tilespmem:s7], [sflag:$0x1] =	stream.linear.gather [hbm4b:s6+s2], $0xC000, $0x38;
	[tilespmem:$0x18000] =	vst v63  }
0xf: {  	_ =	swait.ge [sflag:s4], $0xC000  }
0x10: {  	s10 =	smul.u32 $0x1800, s9;
	[sflag:s4] =	ssyncset.done $0x0  }
0x11: {  	s9 =	simm.s32 $0x2;
	s8 =	sadd.s32 s15, s8;
	[sflag:s4] =	ssyncadd.s32 $0xFFFF4000  }
0x12: {  	[hbm4b:s8+s2] =	stream.linear.scatter [tilespmem:s7], [sflag:$0x3], $0xC000, $0x38;
	[tilespmem:$0x18000] =	vst v63  }
0x13: {  	s16 =	sshrl.u32 s10, $0x3;
	_ =	swait.ge [sflag:s9], $0xC000  }
0x14: {  	s11 =	sadd.s32 $0x3000, s16;
	[sflag:s9] =	ssyncset.done $0x0  }
0x15: {  	s10 =	sadd.s32 s13, s11;
	[sflag:s9] =	ssyncadd.s32 $0xFFFF4000  }
0x16: {  	[tilespmem:s2], [sflag:$0x1] =	stream.linear.gather [hbm4b:s10+s2], $0xC000, $0x38;
	[tilespmem:$0x18000] =	vst v63  }
0x17: {  	_ =	swait.ge [sflag:s4], $0xC000  }
0x18: {  	[sflag:s4] =	ssyncset.done $0x0  }
0x19: {  	s12 =	sadd.s32 s15, s11;
	s11 =	simm.s32 $0x3;
	[sflag:s4] =	ssyncadd.s32 $0xFFFF4000  }
0x1a: {  	[hbm4b:s12+s2] =	stream.linear.scatter [tilespmem:s2], [sflag:$0x2], $0xC000, $0x38;
	[tilespmem:$0x18000] =	vst v63  }
0x1b: {  	_ =	swait.ge [sflag:s11], $0xC000  }
0x1c: {  	s17 =	ssub.s32 $0x2, s14;
	s16 =	sadd.s32 $0x4800, s16;
	[sflag:s11] =	ssyncset.done $0x0  }
0x1d: {  	s31 =	sshrl.u32 s17, $0x1;
	s13 =	sadd.s32 s13, s16;
	[sflag:s11] =	ssyncadd.s32 $0xFFFF4000  }
0x1e: {  	[tilespmem:s7], [sflag:$0x1] =	stream.linear.gather [hbm4b:s13+s2], $0xC000, $0x38;
	[tilespmem:$0x18000] =	vst v63  }
0x1f: {  	s14 =	sadd.s32 s15, s16;
	s15 =	ssub.s32 s17, s31;
	_ =	swait.ge [sflag:s4], $0xC000  }
0x20: {  	s15 =	smax.u32 s15, $0x1;
	[sflag:s4] =	ssyncset.done $0x0  }
0x21: {  	p0 =	sne.s32 s15, $0x1;
	[sflag:s4] =	ssyncadd.s32 $0xFFFF4000  }
0x22: {  	[hbm4b:s14+s2] =	stream.linear.scatter [tilespmem:s7], [sflag:$0x3], $0xC000, $0x38;
	[tilespmem:$0x18000] =	vst v63  }
.Ltmp0:
0x23: {  	_ =	swait.ge [sflag:s9], $0xC000;
	(pc) =	sbr.rel @!p0 .LBB2_2-.Ltmp0, $4  }
0x24: {  	[sflag:s9] =	ssyncset.done $0x0  }
0x25: {  	[sflag:s9] =	ssyncadd.s32 $0xFFFF4000  }
0x26: {  	_ =	swait.ge [sflag:s11], $0xC000  }
0x27: {  	s15 =	sadd.s32 $0xFFFFFFFF, s15;
	[sflag:s11] =	ssyncset.done $0x0  }
.LBB2_1:
0x28: {  	p0 =	sne.s32 s15, $0x1;
	s15 =	sadd.s32 $0xFFFFFFFF, s15;
	[sflag:s11] =	ssyncadd.s32 $0xFFFF4000  }
0x29: {  	[tilespmem:s2], [sflag:$0x1] =	stream.linear.gather [hbm4b:s3+s2], $0xC000, $0x38;
	[tilespmem:$0x18000] =	vst v63  }
0x2a: {  	_ =	swait.ge [sflag:s4], $0xC000  }
0x2b: {  	[sflag:s4] =	ssyncset.done $0x0  }
0x2c: {  	[sflag:s4] =	ssyncadd.s32 $0xFFFF4000  }
0x2d: {  	[hbm4b:s5+s2] =	stream.linear.scatter [tilespmem:s2], [sflag:$0x2], $0xC000, $0x38;
	[tilespmem:$0x18000] =	vst v63  }
0x2e: {  	_ = 	snop  }
0x2f: {  	[tilespmem:s7], [sflag:$0x1] =	stream.linear.gather [hbm4b:s6+s2], $0xC000, $0x38;
	[tilespmem:$0x18000] =	vst v63  }
0x30: {  	_ =	swait.ge [sflag:s4], $0xC000  }
0x31: {  	[sflag:s4] =	ssyncset.done $0x0  }
0x32: {  	[sflag:s4] =	ssyncadd.s32 $0xFFFF4000  }
0x33: {  	[hbm4b:s8+s2] =	stream.linear.scatter [tilespmem:s7], [sflag:$0x3], $0xC000, $0x38;
	[tilespmem:$0x18000] =	vst v63  }
0x34: {  	_ =	swait.ge [sflag:s9], $0xC000  }
0x35: {  	[sflag:s9] =	ssyncset.done $0x0  }
0x36: {  	[sflag:s9] =	ssyncadd.s32 $0xFFFF4000  }
0x37: {  	[tilespmem:s2], [sflag:$0x1] =	stream.linear.gather [hbm4b:s10+s2], $0xC000, $0x38;
	[tilespmem:$0x18000] =	vst v63  }
0x38: {  	_ =	swait.ge [sflag:s4], $0xC000  }
0x39: {  	[sflag:s4] =	ssyncset.done $0x0  }
0x3a: {  	[sflag:s4] =	ssyncadd.s32 $0xFFFF4000  }
0x3b: {  	[hbm4b:s12+s2] =	stream.linear.scatter [tilespmem:s2], [sflag:$0x2], $0xC000, $0x38;
	[tilespmem:$0x18000] =	vst v63  }
0x3c: {  	_ =	swait.ge [sflag:s11], $0xC000  }
0x3d: {  	[sflag:s11] =	ssyncset.done $0x0  }
0x3e: {  	[sflag:s11] =	ssyncadd.s32 $0xFFFF4000  }
0x3f: {  	[tilespmem:s7], [sflag:$0x1] =	stream.linear.gather [hbm4b:s13+s2], $0xC000, $0x38;
	[tilespmem:$0x18000] =	vst v63  }
0x40: {  	_ =	swait.ge [sflag:s4], $0xC000  }
0x41: {  	[sflag:s4] =	ssyncset.done $0x0  }
0x42: {  	[sflag:s4] =	ssyncadd.s32 $0xFFFF4000  }
0x43: {  	[hbm4b:s14+s2] =	stream.linear.scatter [tilespmem:s7], [sflag:$0x3], $0xC000, $0x38;
	[tilespmem:$0x18000] =	vst v63  }
.Ltmp1:
0x44: {  	_ =	swait.ge [sflag:s9], $0xC000;
	(pc) =	sbr.rel @p0 .LBB2_1-.Ltmp1, $4  }
0x45: {  	[sflag:s9] =	ssyncset.done $0x0  }
0x46: {  	[sflag:s9] =	ssyncadd.s32 $0xFFFF4000  }
0x47: {  	_ =	swait.ge [sflag:s11], $0xC000  }
0x48: {  	[sflag:s11] =	ssyncset.done $0x0  }
.LBB2_2:
0x49: {  	[sflag:s11] =	ssyncadd.s32 $0xFFFF4000  }
0x4a: {  	_ =	sfence.sel $0x180000  }
0x4b: {  	[bflag:$0x0] =	sbarrier.arrive $0xFFFF  }
0x4c: {  	p0 =	sne.s32 s0, $0x0;
	_ =	strace $0x90000047  }
0x4d: {  	s0 =	sadd.s32 @!p0 $0x100000, s1;
	[bflag:$0x2] =	sbarrier.arrive $0xFFFF  }
0x4e: {  	[sflag:s0] =	ssyncadd.tile.s32 @!p0 $0x1;
	_ =	shalt  }
.Lfunc_end2:
_tile_overlayer_lowered:
.L_overlay_start_2:
0x4f: {  	(tag) =	ssettag $0x2  }
0x50: {  	s0 =	rddreg [dreg:$0x0];
	s2 =	stileid.u32  }
0x51: {  	s1 =	rddreg [dreg:$0x1];
	p0 =	sne.s32 s2, $0x0  }
0x52: {  	s3 =	rddreg [dreg:$0x2];
	[bflag:$0x3] =	sbarrier.arrive $0xFFFF;
	s2 =	simm.s32 @!p0 $0x1C04  }
0x53: {  	[timem:s3], [sflag:s2] =	dma.local @!p0 [hbm:s0], s1  }
0x54: {  	s0 =	simm.s32 @!p0 $0x4  }
0x55: {  	_ =	swait.ge @!p0 [sflag:s0], s1  }
0x56: {  	s1 =	ssub.s32 @!p0 $0x0, s1;
	[sflag:s0] =	ssyncset.done @!p0 $0x0  }
0x57: {  	[sflag:s0] =	ssyncadd.s32 @!p0 s1  }
0x58: {  	[bflag:$0x3] =	sbarrier.arrive $0xFFFF  }
0x59: {  	_ =	shalt  }

</sc_bundles>
